<compile_context>
chip_gen: v7x
topology: tpu7x:2x2x1
jax: 0.10.2.dev20260603
libtpu: 0.0.44.dev20260713+nightly
codegen_flags: <defaults>
</compile_context>

<pallas_src>
import functools

import jax
import jax.numpy as jnp
from jax import lax
from jax.experimental import pallas as pl
from jax.experimental.pallas import tpu as pltpu
from jax.experimental.pallas import tpu_sc as plsc

N = 4096
DX = 256
H1 = 128
H2 = 64
NDIM = 64
MAXZ = 1000
_REWEIGHT = float(((NDIM + H1) / (DX + H1 + H1)) ** 0.5)

_BM = 256
_BD = 512


def _sc_gather(table, idx):
    info = plsc.get_sparse_core_info()
    nc, ns = info.num_cores, info.num_subcores
    nw = nc * ns
    b = idx.shape[0]
    d = table.shape[1]
    b_per_w = b // nw

    @functools.partial(
        pl.kernel,
        mesh=plsc.VectorSubcoreMesh(core_axis_name="c", subcore_axis_name="s"),
        out_type=jax.ShapeDtypeStruct((b, d), jnp.float32),
        scratch_types=[
            pltpu.VMEM((b_per_w,), jnp.int32),
            pltpu.VMEM((b_per_w, d), jnp.float32),
            pltpu.SemaphoreType.DMA,
        ],
    )
    def gather_kernel(table_hbm, idx_hbm, out_hbm, idx_v, rows_v, sem):
        wid = lax.axis_index("s") * nc + lax.axis_index("c")
        base = wid * b_per_w
        pltpu.sync_copy(idx_hbm.at[pl.ds(base, b_per_w)], idx_v)
        pltpu.async_copy(table_hbm.at[idx_v], rows_v, sem).wait()
        pltpu.sync_copy(rows_v, out_hbm.at[pl.ds(base, b_per_w)])

    return gather_kernel(table, idx)


def _s1_body(x_ref, z_ref, e0_ref, e1_ref, w1a_ref, w1b_ref, we_ref, s1_ref):
    sx = jnp.dot(x_ref[...], w1a_ref[...], preferred_element_type=jnp.float32)
    sx = sx + jnp.dot(z_ref[...], w1b_ref[...], preferred_element_type=jnp.float32)
    s1_ref[:, 0:H1] = sx
    s1_ref[:, H1:2 * H1] = jnp.dot(e0_ref[...], we_ref[...],
                                   preferred_element_type=jnp.float32)
    s1_ref[:, 2 * H1:3 * H1] = jnp.dot(e1_ref[...], we_ref[...],
                                       preferred_element_type=jnp.float32)


def _build_s1(x, z_emb, e0, e1, w1a, w1b, we):
    grid = (N // _BM,)
    return pl.pallas_call(
        _s1_body,
        grid=grid,
        in_specs=[
            pl.BlockSpec((_BM, DX), lambda i: (i, 0)),
            pl.BlockSpec((_BM, H1), lambda i: (i, 0)),
            pl.BlockSpec((_BM, NDIM), lambda i: (i, 0)),
            pl.BlockSpec((_BM, NDIM), lambda i: (i, 0)),
            pl.BlockSpec((DX, H1), lambda i: (0, 0)),
            pl.BlockSpec((H1, H1), lambda i: (0, 0)),
            pl.BlockSpec((NDIM, H1), lambda i: (0, 0)),
        ],
        out_specs=pl.BlockSpec((_BM, 3 * H1), lambda i: (i, 0)),
        out_shape=jax.ShapeDtypeStruct((N, 3 * H1), jnp.float32),
    )(x, z_emb, e0, e1, w1a, w1b, we)


def _p1_body(adj_ref, s1_ref, w2_ref, w3_ref, s2_ref, sums_ref):
    p = jnp.dot(adj_ref[...].astype(jnp.bfloat16),
                s1_ref[...].astype(jnp.bfloat16),
                preferred_element_type=jnp.float32)
    hx = jax.nn.relu(p[:, 0:H1])
    he0 = jax.nn.relu(p[:, H1:2 * H1])
    he1 = jax.nn.relu(p[:, 2 * H1:3 * H1])
    h0 = hx + he0
    h1 = hx + he1
    s2_ref[:, 0:H2] = jnp.dot(h0, w2_ref[...], preferred_element_type=jnp.float32)
    s2_ref[:, H2:2 * H2] = jnp.dot(h1, w2_ref[...], preferred_element_type=jnp.float32)
    s2_ref[:, 2 * H2:3 * H2] = jnp.dot(h0, w3_ref[...], preferred_element_type=jnp.float32)
    s2_ref[:, 3 * H2:4 * H2] = jnp.dot(h1, w3_ref[...], preferred_element_type=jnp.float32)
    ssig = jnp.sum(hx * hx)
    sn0 = jnp.sum(he0 * he0)
    sn1 = jnp.sum(he1 * he1)
    lane = lax.broadcasted_iota(jnp.int32, (1, 1, 128), 2)
    sums_ref[...] = (jnp.where(lane == 0, ssig, 0.0)
                     + jnp.where(lane == 1, sn0, 0.0)
                     + jnp.where(lane == 2, sn1, 0.0))


def _pass1(adj, s1, w2, w3):
    grid = (N // _BM,)
    return pl.pallas_call(
        _p1_body,
        grid=grid,
        in_specs=[
            pl.BlockSpec((_BM, N), lambda i: (i, 0)),
            pl.BlockSpec((N, 3 * H1), lambda i: (0, 0)),
            pl.BlockSpec((H1, H2), lambda i: (0, 0)),
            pl.BlockSpec((H1, H2), lambda i: (0, 0)),
        ],
        out_specs=[
            pl.BlockSpec((_BM, 4 * H2), lambda i: (i, 0)),
            pl.BlockSpec((1, 1, 128), lambda i: (i, 0, 0)),
        ],
        out_shape=[
            jax.ShapeDtypeStruct((N, 4 * H2), jnp.float32),
            jax.ShapeDtypeStruct((N // _BM, 1, 128), jnp.float32),
        ],
    )(adj, s1, w2, w3)


def _p2_body(adj_ref, s2_ref, rk_ref, mu_ref, lv_ref, zsc_ref):
    q = jnp.dot(adj_ref[...].astype(jnp.bfloat16),
                s2_ref[...].astype(jnp.bfloat16),
                preferred_element_type=jnp.float32)
    mu_ref[0] = q[:, 0:H2]
    mu_ref[1] = q[:, H2:2 * H2]
    lv_ref[0] = q[:, 2 * H2:3 * H2]
    lv_ref[1] = q[:, 3 * H2:4 * H2]
    zsc_ref[...] = q[:, H2:2 * H2] * rk_ref[...]


def _pass2(adj, s2, rk):
    grid = (N // _BM,)
    return pl.pallas_call(
        _p2_body,
        grid=grid,
        in_specs=[
            pl.BlockSpec((_BM, N), lambda i: (i, 0)),
            pl.BlockSpec((N, 4 * H2), lambda i: (0, 0)),
            pl.BlockSpec((1, H2), lambda i: (0, 0)),
        ],
        out_specs=[
            pl.BlockSpec((2, _BM, H2), lambda i: (0, i, 0)),
            pl.BlockSpec((2, _BM, H2), lambda i: (0, i, 0)),
            pl.BlockSpec((_BM, H2), lambda i: (i, 0)),
        ],
        out_shape=[
            jax.ShapeDtypeStruct((2, N, H2), jnp.float32),
            jax.ShapeDtypeStruct((2, N, H2), jnp.float32),
            jax.ShapeDtypeStruct((N, H2), jnp.float32),
        ],
    )(adj, s2, rk)


def _dec_body(zrow_ref, zall_ref, out_ref):
    logits = lax.dot_general(zrow_ref[...], zall_ref[...],
                             (((1,), (1,)), ((), ())),
                             preferred_element_type=jnp.float32)
    logits = jnp.minimum(logits, 25.0)
    out_ref[...] = 1.0 - jnp.exp(-jnp.exp(logits))


def _decoder(zsc):
    grid = (N // _BD,)
    return pl.pallas_call(
        _dec_body,
        grid=grid,
        in_specs=[
            pl.BlockSpec((_BD, H2), lambda i: (i, 0)),
            pl.BlockSpec((N, H2), lambda i: (0, 0)),
        ],
        out_specs=pl.BlockSpec((_BD, N), lambda i: (i, 0)),
        out_shape=jax.ShapeDtypeStruct((N, N), jnp.float32),
    )(zsc, zsc)


def kernel(x, adj, data_z, train_nodes, z_table, W1, We, W2, W3, rk_lgt):
    e = jax.random.bernoulli(jax.random.key(42), 0.5,
                             (2, N, NDIM)).astype(jnp.float32) * _REWEIGHT
    eps = jax.random.normal(jax.random.fold_in(jax.random.key(7), 0),
                            (1, N, H2), dtype=jnp.float32)
    rk = jnp.sqrt(jax.nn.sigmoid(rk_lgt))
    rk2 = rk ** 2

    z_emb = _sc_gather(z_table, data_z.astype(jnp.int32))
    s1 = _build_s1(x, z_emb, e[0], e[1], W1[:DX], W1[DX:], We)
    s2, sums = _pass1(adj, s1, W2, W3)
    mu, logvar, zsc = _pass2(adj, s2, rk)
    adj_mat = _decoder(zsc)

    tot = jnp.sum(sums, axis=(0, 1))
    denom = float(N * H1)
    p_signal = tot[0] / denom
    snr = jnp.stack([p_signal / (tot[1] / denom),
                     p_signal / (tot[2] / denom)])

    return (adj_mat[None], mu, logvar, mu[1:], zsc[None], eps, rk2, snr)

# --- scband reference (transcript-rebuilt; emitter-appended) ---
"""Pipeline reference for scband-gcnmodel-sigvae-70677981823579 (READ-ONLY COPY).

The authoritative reference and input builder live on the scoring server;
editing this copy changes nothing except your own understanding.
"""

import jax, jax.numpy as jnp
import numpy as np

N = 4096
DX = 256
H1 = 128
H2 = 64
NDIM = 64
K = 1
J = 1
MAXZ = 1000
IN_FEAT = DX + H1  # x is concatenated with z_embedding before gc1
REWEIGHT = float(((NDIM + H1) / (IN_FEAT + H1)) ** 0.5)


def _glorot(key, fan_in, fan_out):
    lim = float(np.sqrt(6.0 / (fan_in + fan_out)))
    return jax.random.uniform(key, (fan_in, fan_out), minval=-lim, maxval=lim, dtype=jnp.float32)


def setup_inputs(seed: int = 0):
    key = jax.random.key(seed)
    ks = jax.random.split(key, 9)
    x = jax.random.normal(ks[0], (N, DX), dtype=jnp.float32)
    # dense stand-in for a (row-normalized) sparse adjacency; scaled by 1/N for numerical sanity
    adj = jax.random.uniform(ks[1], (N, N), dtype=jnp.float32) / float(N)
    data_z = jax.random.randint(ks[2], (N,), 0, MAXZ)
    z_table = jax.random.normal(ks[3], (MAXZ, H1), dtype=jnp.float32)
    W1 = _glorot(ks[4], IN_FEAT, H1)
    We = _glorot(ks[5], NDIM, H1)
    W2 = _glorot(ks[6], H1, H2)
    W3 = _glorot(ks[7], H1, H2)
    rk_lgt = jax.random.uniform(ks[8], (1, H2), minval=-6.0, maxval=0.0, dtype=jnp.float32)
    return {"x": x, "adj": adj, "data_z": data_z, "train_nodes": N,
            "z_table": z_table, "W1": W1, "We": We, "W2": W2, "W3": W3, "rk_lgt": rk_lgt}


def _gcn(inp, adj, W, act):
    # MIMO GCN with shared weights: inp is [Kc, N, F]
    support = jnp.einsum('knf,fh->knh', inp, W)
    out = jnp.einsum('nm,kmh->knh', adj, support)
    return act(out)


def _encode(x, adj, z_table, W1, We, W2, W3, data_z, e):
    z_emb = jnp.take(z_table, data_z, axis=0)  # embedding gather
    xx = jnp.concatenate([x, z_emb], axis=1)[None]  # [1, N, IN_FEAT]
    hiddenx = _gcn(xx, adj, W1, jax.nn.relu)  # [1, N, H1]
    hiddene = _gcn(e, adj, We, jax.nn.relu)   # [K+J, N, H1]
    hidden1 = hiddenx + hiddene               # broadcast -> [K+J, N, H1]
    p_signal = jnp.mean(hiddenx ** 2)
    p_noise = jnp.mean(hiddene ** 2, axis=(-2, -1))
    snr = p_signal / p_noise
    mu = _gcn(hidden1, adj, W2, lambda t: t)
    # encsto == 'full' -> hidden_sd = hidden1
    logvar = _gcn(hidden1, adj, W3, lambda t: t)
    return mu, logvar, snr


def reference(x, adj, data_z, train_nodes, z_table, W1, We, W2, W3, rk_lgt):
    # Bernoulli(0.5) noise injected into the encoder (fixed key stand-in for torch RNG)
    e = jax.random.bernoulli(jax.random.key(42), 0.5, (K + J, N, NDIM)).astype(jnp.float32) * REWEIGHT
    mu, logvar, snr = _encode(x, adj, z_table, W1, We, W2, W3, data_z, e)
    emb_mu = mu[J:]
    emb_logvar = logvar[J:]
    num = x.shape[0]
    tn = [num]
    offset = jnp.asarray(train_nodes, dtype=jnp.int32) - num
    adj_global = jnp.zeros((K, num, num), dtype=jnp.float32)
    z_global = jnp.zeros((K, num, H2), dtype=jnp.float32)
    zsc_global = jnp.zeros((K, num, H2), dtype=jnp.float32)
    eps_global = jnp.zeros((K, num, H2), dtype=jnp.float32)
    rk = jnp.sqrt(jax.nn.sigmoid(rk_lgt))  # decoder scaling
    rk2 = rk ** 2
    start = 0
    for i, t in enumerate(tn):
        sub_mu = emb_mu[:, start:start + t]
        eps = jax.random.normal(jax.random.fold_in(jax.random.key(7), i), sub_mu.shape, dtype=jnp.float32)
        z_i = sub_mu  # eval-mode reparameterize: z = mu
        zsc = z_i * rk.reshape(1, 1, H2)
        adj_lgt = jnp.einsum('knd,kmd->knm', zsc, zsc)
        adj_lgt = jnp.minimum(adj_lgt, 25.0)
        adj_i = 1.0 - jnp.exp(-jnp.exp(adj_lgt))
        idx = jnp.arange(start, start + t) + offset
        adj_global = adj_global.at[:, idx[:, None], idx].set(adj_i)
        z_global = z_global.at[:, idx, :].set(z_i)
        zsc_global = zsc_global.at[:, idx, :].set(zsc)
        eps_global = eps_global.at[:, idx, :].set(eps)
        start += t
    return (adj_global, mu, logvar, z_global, zsc_global, eps_global, rk2, snr)

if __name__ == "__main__":
    import jax
    _d = setup_inputs()
    print(jax.jit(kernel)(*tuple(_d.values())))

</pallas_src>

<mosaic_0001>
#map = affine_map<(d0, d1) -> (0, 0)>
#map1 = affine_map<(d0, d1) -> (0)>
module attributes {stable_mosaic.version = 14 : i64} {
  func.func @gather_kernel(%arg0: i32, %arg1: i32, %arg2: memref<1000x128xf32, #tpu.memory_space<hbm>>, %arg3: memref<4096xi32, #tpu.memory_space<hbm>>, %arg4: memref<4096x128xf32, #tpu.memory_space<hbm>>, %arg5: memref<128xi32, #tpu.memory_space<vmem>>, %arg6: memref<128x128xf32, #tpu.memory_space<vmem>>, %arg7: memref<!tpu.dma_semaphore, #tpu.memory_space<semaphore_mem>>) attributes {dimension_semantics = [#tpu.dimension_semantics<core_parallel>, #tpu.dimension_semantics<subcore_parallel>], iteration_bounds = array<i64: 2, 16>, scalar_prefetch = 0 : i64, scratch_operands = 3 : i64, tpu.core_type = #tpu.core_type<sc_vector_subcore>, window_params = [{transform_indices = #map}, {transform_indices = #map1}, {transform_indices = #map}]} {
    %mul3A = arith.constant 2 : i32
    %mul3A_0 = arith.muli %arg1, %mul3A : i32
    %add3A = arith.addi %mul3A_0, %arg0 : i32
    %mul3A_1 = arith.constant 128 : i32
    %mul3A_2 = arith.muli %add3A, %mul3A_1 : i32
    "tpu.region"() ({
      %run_scoped3A = tpu.sem_alloc : memref<!tpu.dma_semaphore, #tpu.memory_space<semaphore_mem>>
      %dma_start3A_7 = tpu.memref_slice %arg3[%mul3A_2] : memref<4096xi32, #tpu.memory_space<hbm>> -> memref<128xi32, #tpu.memory_space<hbm>>
      %dma_start3A_8 = tpu.memref_slice %arg3[%mul3A_2] : memref<4096xi32, #tpu.memory_space<hbm>> -> memref<128xi32, #tpu.memory_space<hbm>>
      tpu.enqueue_dma source(%dma_start3A_8 : memref<128xi32, #tpu.memory_space<hbm>>) target(%arg5 : memref<128xi32, #tpu.memory_space<vmem>>) target_semaphore(%run_scoped3A : memref<!tpu.dma_semaphore, #tpu.memory_space<semaphore_mem>>)
      %dma_wait3A_9 = tpu.memref_slice %arg3[%mul3A_2] : memref<4096xi32, #tpu.memory_space<hbm>> -> memref<128xi32, #tpu.memory_space<hbm>>
      %dma_wait3A_10 = tpu.memref_slice %arg3[%mul3A_2] : memref<4096xi32, #tpu.memory_space<hbm>> -> memref<128xi32, #tpu.memory_space<hbm>>
      tpu.wait_dma2 semaphore(%run_scoped3A : memref<!tpu.dma_semaphore, #tpu.memory_space<semaphore_mem>>) src(%dma_wait3A_10 : memref<128xi32, #tpu.memory_space<hbm>>) dst(%arg5 : memref<128xi32, #tpu.memory_space<vmem>>)
      tpu.yield
    }) : () -> ()
    %dma_start3A = arith.constant 0 : i32
    %dma_start3A_3 = arith.constant 0 : i32
    %dma_start3A_4 = tpu.memref_slice %arg2[%dma_start3A, %dma_start3A_3] : memref<1000x128xf32, #tpu.memory_space<hbm>> -> memref<1000x128xf32, #tpu.memory_space<hbm>>
    tpu.enqueue_indirect_dma source(%dma_start3A_4 : memref<1000x128xf32, #tpu.memory_space<hbm>>) target(%arg6 : memref<128x128xf32, #tpu.memory_space<vmem>>) offsets(%arg5 : memref<128xi32, #tpu.memory_space<vmem>>) semaphore(%arg7 : memref<!tpu.dma_semaphore, #tpu.memory_space<semaphore_mem>>)
    %dma_wait3A = arith.constant 0 : i32
    %dma_wait3A_5 = arith.constant 0 : i32
    %dma_wait3A_6 = tpu.memref_slice %arg2[%dma_wait3A, %dma_wait3A_5] : memref<1000x128xf32, #tpu.memory_space<hbm>> -> memref<1000x128xf32, #tpu.memory_space<hbm>>
    tpu.wait_indirect_dma semaphore(%arg7 : memref<!tpu.dma_semaphore, #tpu.memory_space<semaphore_mem>>) src(%dma_wait3A_6 : memref<1000x128xf32, #tpu.memory_space<hbm>>) dst(%arg6 : memref<128x128xf32, #tpu.memory_space<vmem>>)
    "tpu.region"() ({
      %run_scoped3A = tpu.sem_alloc : memref<!tpu.dma_semaphore, #tpu.memory_space<semaphore_mem>>
      %dma_start3A_7 = arith.constant 0 : i32
      %dma_start3A_8 = tpu.memref_slice %arg4[%mul3A_2, %dma_start3A_7] : memref<4096x128xf32, #tpu.memory_space<hbm>> -> memref<128x128xf32, #tpu.memory_space<hbm>>
      %dma_start3A_9 = arith.constant 0 : i32
      %dma_start3A_10 = tpu.memref_slice %arg4[%mul3A_2, %dma_start3A_9] : memref<4096x128xf32, #tpu.memory_space<hbm>> -> memref<128x128xf32, #tpu.memory_space<hbm>>
      tpu.enqueue_dma source(%arg6 : memref<128x128xf32, #tpu.memory_space<vmem>>) target(%dma_start3A_10 : memref<128x128xf32, #tpu.memory_space<hbm>>) target_semaphore(%run_scoped3A : memref<!tpu.dma_semaphore, #tpu.memory_space<semaphore_mem>>)
      %dma_wait3A_11 = arith.constant 0 : i32
      %dma_wait3A_12 = tpu.memref_slice %arg4[%mul3A_2, %dma_wait3A_11] : memref<4096x128xf32, #tpu.memory_space<hbm>> -> memref<128x128xf32, #tpu.memory_space<hbm>>
      %dma_wait3A_13 = arith.constant 0 : i32
      %dma_wait3A_14 = tpu.memref_slice %arg4[%mul3A_2, %dma_wait3A_13] : memref<4096x128xf32, #tpu.memory_space<hbm>> -> memref<128x128xf32, #tpu.memory_space<hbm>>
      tpu.wait_dma2 semaphore(%run_scoped3A : memref<!tpu.dma_semaphore, #tpu.memory_space<semaphore_mem>>) src(%arg6 : memref<128x128xf32, #tpu.memory_space<vmem>>) dst(%dma_wait3A_14 : memref<128x128xf32, #tpu.memory_space<hbm>>)
      tpu.yield
    }) : () -> ()
    return
  }
}

module attributes {stable_mosaic.version = 14 : i64} {
  func.func @_s1_body(%arg0: i32, %arg1: memref<256x256xf32, #tpu.memory_space<vmem>>, %arg2: memref<256x128xf32, #tpu.memory_space<vmem>>, %arg3: memref<256x64xf32, #tpu.memory_space<vmem>>, %arg4: memref<256x64xf32, #tpu.memory_space<vmem>>, %arg5: memref<256x128xf32, #tpu.memory_space<vmem>>, %arg6: memref<128x128xf32, #tpu.memory_space<vmem>>, %arg7: memref<64x128xf32, #tpu.memory_space<vmem>>, %arg8: memref<256x384xf32, #tpu.memory_space<vmem>>) attributes {dimension_semantics = [#tpu.dimension_semantics<arbitrary>], iteration_bounds = array<i64: 16>, scalar_prefetch = 0 : i64, scratch_operands = 0 : i64, tpu.core_type = #tpu.core_type<tc>, window_params = [{transform_indices = @transform_0, window_bounds = array<i64: 256, 256>}, {transform_indices = @transform_1, window_bounds = array<i64: 256, 128>}, {transform_indices = @transform_2, window_bounds = array<i64: 256, 64>}, {transform_indices = @transform_3, window_bounds = array<i64: 256, 64>}, {pipeline_mode = #tpu.pipeline_mode<synchronous>, transform_indices = @transform_4, window_bounds = array<i64: 256, 128>}, {pipeline_mode = #tpu.pipeline_mode<synchronous>, transform_indices = @transform_5, window_bounds = array<i64: 128, 128>}, {pipeline_mode = #tpu.pipeline_mode<synchronous>, transform_indices = @transform_6, window_bounds = array<i64: 64, 128>}, {transform_indices = @transform_7, window_bounds = array<i64: 256, 384>}]} {
    %get3A = arith.constant 0 : index
    %get3A_0 = arith.constant 0 : index
    %get3A_1 = vector.load %arg1[%get3A, %get3A_0] : memref<256x256xf32, #tpu.memory_space<vmem>>, vector<256x256xf32>
    %get3A_2 = arith.constant 0 : index
    %get3A_3 = arith.constant 0 : index
    %get3A_4 = vector.load %arg5[%get3A_2, %get3A_3] : memref<256x128xf32, #tpu.memory_space<vmem>>, vector<256x128xf32>
    %dot_general3A = arith.constant dense<0.000000e+00> : vector<256x128xf32>
    %dot_general3A_5 = tpu.matmul %get3A_1, %get3A_4, %dot_general3A {dimension_numbers = #tpu.dot_dimension_numbers<[1], [0], [0], [1], [0, 0, 1, 1], [], []>, transpose_lhs_hint = false} : vector<256x256xf32>, vector<256x128xf32>, vector<256x128xf32> -> vector<256x128xf32>
    %get3A_6 = arith.constant 0 : index
    %get3A_7 = arith.constant 0 : index
    %get3A_8 = vector.load %arg2[%get3A_6, %get3A_7] : memref<256x128xf32, #tpu.memory_space<vmem>>, vector<256x128xf32>
    %get3A_9 = arith.constant 0 : index
    %get3A_10 = arith.constant 0 : index
    %get3A_11 = vector.load %arg6[%get3A_9, %get3A_10] : memref<128x128xf32, #tpu.memory_space<vmem>>, vector<128x128xf32>
    %dot_general3A_12 = arith.constant dense<0.000000e+00> : vector<256x128xf32>
    %dot_general3A_13 = tpu.matmul %get3A_8, %get3A_11, %dot_general3A_12 {dimension_numbers = #tpu.dot_dimension_numbers<[1], [0], [0], [1], [0, 0, 1, 1], [], []>, transpose_lhs_hint = false} : vector<256x128xf32>, vector<128x128xf32>, vector<256x128xf32> -> vector<256x128xf32>
    %add3A = arith.addf %dot_general3A_5, %dot_general3A_13 : vector<256x128xf32>
    %swap3A = arith.constant 0 : index
    %swap3A_14 = arith.constant 0 : index
    %swap3A_15 = vector.load %arg8[%swap3A, %swap3A_14] : memref<256x384xf32, #tpu.memory_space<vmem>>, vector<256x128xf32>
    tpu.vector_store %arg8[%swap3A, %swap3A_14], %add3A {strides = array<i32>} : memref<256x384xf32, #tpu.memory_space<vmem>>, vector<256x128xf32>,
    %get3A_16 = arith.constant 0 : index
    %get3A_17 = arith.constant 0 : index
    %get3A_18 = vector.load %arg3[%get3A_16, %get3A_17] : memref<256x64xf32, #tpu.memory_space<vmem>>, vector<256x64xf32>
    %get3A_19 = arith.constant 0 : index
    %get3A_20 = arith.constant 0 : index
    %get3A_21 = vector.load %arg7[%get3A_19, %get3A_20] : memref<64x128xf32, #tpu.memory_space<vmem>>, vector<64x128xf32>
    %dot_general3A_22 = arith.constant dense<0.000000e+00> : vector<256x128xf32>
    %dot_general3A_23 = tpu.matmul %get3A_18, %get3A_21, %dot_general3A_22 {dimension_numbers = #tpu.dot_dimension_numbers<[1], [0], [0], [1], [0, 0, 1, 1], [], []>, transpose_lhs_hint = false} : vector<256x64xf32>, vector<64x128xf32>, vector<256x128xf32> -> vector<256x128xf32>
    %swap3A_24 = arith.constant 0 : index
    %swap3A_25 = arith.constant 128 : index
    %swap3A_26 = vector.load %arg8[%swap3A_24, %swap3A_25] : memref<256x384xf32, #tpu.memory_space<vmem>>, vector<256x128xf32>
    tpu.vector_store %arg8[%swap3A_24, %swap3A_25], %dot_general3A_23 {strides = array<i32>} : memref<256x384xf32, #tpu.memory_space<vmem>>, vector<256x128xf32>,
    %get3A_27 = arith.constant 0 : index
    %get3A_28 = arith.constant 0 : index
    %get3A_29 = vector.load %arg4[%get3A_27, %get3A_28] : memref<256x64xf32, #tpu.memory_space<vmem>>, vector<256x64xf32>
    %get3A_30 = arith.constant 0 : index
    %get3A_31 = arith.constant 0 : index
    %get3A_32 = vector.load %arg7[%get3A_30, %get3A_31] : memref<64x128xf32, #tpu.memory_space<vmem>>, vector<64x128xf32>
    %dot_general3A_33 = arith.constant dense<0.000000e+00> : vector<256x128xf32>
    %dot_general3A_34 = tpu.matmul %get3A_29, %get3A_32, %dot_general3A_33 {dimension_numbers = #tpu.dot_dimension_numbers<[1], [0], [0], [1], [0, 0, 1, 1], [], []>, transpose_lhs_hint = false} : vector<256x64xf32>, vector<64x128xf32>, vector<256x128xf32> -> vector<256x128xf32>
    %swap3A_35 = arith.constant 0 : index
    %swap3A_36 = arith.constant 256 : index
    %swap3A_37 = vector.load %arg8[%swap3A_35, %swap3A_36] : memref<256x384xf32, #tpu.memory_space<vmem>>, vector<256x128xf32>
    tpu.vector_store %arg8[%swap3A_35, %swap3A_36], %dot_general3A_34 {strides = array<i32>} : memref<256x384xf32, #tpu.memory_space<vmem>>, vector<256x128xf32>,
    return
  }
  func.func @transform_0(%arg0: i32) -> (i32, i32) {
    %c0_i32 = arith.constant 0 : i32
    %c0_i32_0 = arith.constant 0 : i32
    return %arg0, %c0_i32 : i32, i32
  }
  func.func @transform_1(%arg0: i32) -> (i32, i32) {
    %c0_i32 = arith.constant 0 : i32
    %c0_i32_0 = arith.constant 0 : i32
    return %arg0, %c0_i32 : i32, i32
  }
  func.func @transform_2(%arg0: i32) -> (i32, i32) {
    %c0_i32 = arith.constant 0 : i32
    %c0_i32_0 = arith.constant 0 : i32
    return %arg0, %c0_i32 : i32, i32
  }
  func.func @transform_3(%arg0: i32) -> (i32, i32) {
    %c0_i32 = arith.constant 0 : i32
    %c0_i32_0 = arith.constant 0 : i32
    return %arg0, %c0_i32 : i32, i32
  }
  func.func @transform_4(%arg0: i32) -> (i32, i32) {
    %c0_i32 = arith.constant 0 : i32
    %c0_i32_0 = arith.constant 0 : i32
    %c0_i32_1 = arith.constant 0 : i32
    return %c0_i32, %c0_i32_0 : i32, i32
  }
  func.func @transform_5(%arg0: i32) -> (i32, i32) {
    %c0_i32 = arith.constant 0 : i32
    %c0_i32_0 = arith.constant 0 : i32
    %c0_i32_1 = arith.constant 0 : i32
    return %c0_i32, %c0_i32_0 : i32, i32
  }
  func.func @transform_6(%arg0: i32) -> (i32, i32) {
    %c0_i32 = arith.constant 0 : i32
    %c0_i32_0 = arith.constant 0 : i32
    %c0_i32_1 = arith.constant 0 : i32
    return %c0_i32, %c0_i32_0 : i32, i32
  }
  func.func @transform_7(%arg0: i32) -> (i32, i32) {
    %c0_i32 = arith.constant 0 : i32
    %c0_i32_0 = arith.constant 0 : i32
    return %arg0, %c0_i32 : i32, i32
  }
}

module attributes {stable_mosaic.version = 14 : i64} {
  func.func @_p1_body(%arg0: i32, %arg1: memref<256x4096xf32, #tpu.memory_space<vmem>>, %arg2: memref<4096x384xf32, #tpu.memory_space<vmem>>, %arg3: memref<128x64xf32, #tpu.memory_space<vmem>>, %arg4: memref<128x64xf32, #tpu.memory_space<vmem>>, %arg5: memref<256x256xf32, #tpu.memory_space<vmem>>, %arg6: memref<1x1x128xf32, #tpu.memory_space<vmem>>) attributes {dimension_semantics = [#tpu.dimension_semantics<arbitrary>], iteration_bounds = array<i64: 16>, scalar_prefetch = 0 : i64, scratch_operands = 0 : i64, tpu.core_type = #tpu.core_type<tc>, window_params = [{transform_indices = @transform_0, window_bounds = array<i64: 256, 4096>}, {pipeline_mode = #tpu.pipeline_mode<synchronous>, transform_indices = @transform_1, window_bounds = array<i64: 4096, 384>}, {pipeline_mode = #tpu.pipeline_mode<synchronous>, transform_indices = @transform_2, window_bounds = array<i64: 128, 64>}, {pipeline_mode = #tpu.pipeline_mode<synchronous>, transform_indices = @transform_3, window_bounds = array<i64: 128, 64>}, {transform_indices = @transform_4, window_bounds = array<i64: 256, 256>}, {transform_indices = @transform_5, window_bounds = array<i64: 1, 1, 128>}]} {
    %get3A = arith.constant 0 : index
    %get3A_0 = arith.constant 0 : index
    %get3A_1 = vector.load %arg1[%get3A, %get3A_0] : memref<256x4096xf32, #tpu.memory_space<vmem>>, vector<256x4096xf32>
    %convert_element_type3A = arith.truncf %get3A_1 : vector<256x4096xf32> to vector<256x4096xbf16>
    %get3A_2 = arith.constant 0 : index
    %get3A_3 = arith.constant 0 : index
    %get3A_4 = vector.load %arg2[%get3A_2, %get3A_3] : memref<4096x384xf32, #tpu.memory_space<vmem>>, vector<4096x384xf32>
    %convert_element_type3A_5 = arith.truncf %get3A_4 : vector<4096x384xf32> to vector<4096x384xbf16>
    %dot_general3A = arith.constant dense<0.000000e+00> : vector<256x384xf32>
    %dot_general3A_6 = tpu.matmul %convert_element_type3A, %convert_element_type3A_5, %dot_general3A {dimension_numbers = #tpu.dot_dimension_numbers<[1], [0], [0], [1], [0, 0, 1, 1], [], []>, transpose_lhs_hint = false} : vector<256x4096xbf16>, vector<4096x384xbf16>, vector<256x384xf32> -> vector<256x384xf32>
    %slice3A = vector.extract_strided_slice %dot_general3A_6 {offsets = [0, 0], sizes = [256, 128], strides = [1, 1]} : vector<256x384xf32> to vector<256x128xf32>
    %max3A = arith.constant 0.000000e+00 : f32
    %max3A_7 = vector.broadcast %max3A : f32 to vector<256x128xf32>
    %max3A_8 = arith.maximumf %slice3A, %max3A_7 : vector<256x128xf32>
    %slice3A_9 = vector.extract_strided_slice %dot_general3A_6 {offsets = [0, 128], sizes = [256, 128], strides = [1, 1]} : vector<256x384xf32> to vector<256x128xf32>
    %max3A_10 = arith.constant 0.000000e+00 : f32
    %max3A_11 = vector.broadcast %max3A_10 : f32 to vector<256x128xf32>
    %max3A_12 = arith.maximumf %slice3A_9, %max3A_11 : vector<256x128xf32>
    %slice3A_13 = vector.extract_strided_slice %dot_general3A_6 {offsets = [0, 256], sizes = [256, 128], strides = [1, 1]} : vector<256x384xf32> to vector<256x128xf32>
    %max3A_14 = arith.constant 0.000000e+00 : f32
    %max3A_15 = vector.broadcast %max3A_14 : f32 to vector<256x128xf32>
    %max3A_16 = arith.maximumf %slice3A_13, %max3A_15 : vector<256x128xf32>
    %add3A = arith.addf %max3A_8, %max3A_12 : vector<256x128xf32>
    %add3A_17 = arith.addf %max3A_8, %max3A_16 : vector<256x128xf32>
    %get3A_18 = arith.constant 0 : index
    %get3A_19 = arith.constant 0 : index
    %get3A_20 = vector.load %arg3[%get3A_18, %get3A_19] : memref<128x64xf32, #tpu.memory_space<vmem>>, vector<128x64xf32>
    %dot_general3A_21 = arith.constant dense<0.000000e+00> : vector<256x64xf32>
    %dot_general3A_22 = tpu.matmul %add3A, %get3A_20, %dot_general3A_21 {dimension_numbers = #tpu.dot_dimension_numbers<[1], [0], [0], [1], [0, 0, 1, 1], [], []>, transpose_lhs_hint = false} : vector<256x128xf32>, vector<128x64xf32>, vector<256x64xf32> -> vector<256x64xf32>
    %swap3A = arith.constant 0 : index
    %swap3A_23 = arith.constant 0 : index
    %swap3A_24 = vector.load %arg5[%swap3A, %swap3A_23] : memref<256x256xf32, #tpu.memory_space<vmem>>, vector<256x64xf32>
    tpu.vector_store %arg5[%swap3A, %swap3A_23], %dot_general3A_22 {strides = array<i32>} : memref<256x256xf32, #tpu.memory_space<vmem>>, vector<256x64xf32>,
    %get3A_25 = arith.constant 0 : index
    %get3A_26 = arith.constant 0 : index
    %get3A_27 = vector.load %arg3[%get3A_25, %get3A_26] : memref<128x64xf32, #tpu.memory_space<vmem>>, vector<128x64xf32>
    %dot_general3A_28 = arith.constant dense<0.000000e+00> : vector<256x64xf32>
    %dot_general3A_29 = tpu.matmul %add3A_17, %get3A_27, %dot_general3A_28 {dimension_numbers = #tpu.dot_dimension_numbers<[1], [0], [0], [1], [0, 0, 1, 1], [], []>, transpose_lhs_hint = false} : vector<256x128xf32>, vector<128x64xf32>, vector<256x64xf32> -> vector<256x64xf32>
    %swap3A_30 = arith.constant 0 : index
    %swap3A_31 = arith.constant 64 : index
    %swap3A_32 = vector.load %arg5[%swap3A_30, %swap3A_31] : memref<256x256xf32, #tpu.memory_space<vmem>>, vector<256x64xf32>
    tpu.vector_store %arg5[%swap3A_30, %swap3A_31], %dot_general3A_29 {strides = array<i32>} : memref<256x256xf32, #tpu.memory_space<vmem>>, vector<256x64xf32>,
    %get3A_33 = arith.constant 0 : index
    %get3A_34 = arith.constant 0 : index
    %get3A_35 = vector.load %arg4[%get3A_33, %get3A_34] : memref<128x64xf32, #tpu.memory_space<vmem>>, vector<128x64xf32>
    %dot_general3A_36 = arith.constant dense<0.000000e+00> : vector<256x64xf32>
    %dot_general3A_37 = tpu.matmul %add3A, %get3A_35, %dot_general3A_36 {dimension_numbers = #tpu.dot_dimension_numbers<[1], [0], [0], [1], [0, 0, 1, 1], [], []>, transpose_lhs_hint = false} : vector<256x128xf32>, vector<128x64xf32>, vector<256x64xf32> -> vector<256x64xf32>
    %swap3A_38 = arith.constant 0 : index
    %swap3A_39 = arith.constant 128 : index
    %swap3A_40 = vector.load %arg5[%swap3A_38, %swap3A_39] : memref<256x256xf32, #tpu.memory_space<vmem>>, vector<256x64xf32>
    tpu.vector_store %arg5[%swap3A_38, %swap3A_39], %dot_general3A_37 {strides = array<i32>} : memref<256x256xf32, #tpu.memory_space<vmem>>, vector<256x64xf32>,
    %get3A_41 = arith.constant 0 : index
    %get3A_42 = arith.constant 0 : index
    %get3A_43 = vector.load %arg4[%get3A_41, %get3A_42] : memref<128x64xf32, #tpu.memory_space<vmem>>, vector<128x64xf32>
    %dot_general3A_44 = arith.constant dense<0.000000e+00> : vector<256x64xf32>
    %dot_general3A_45 = tpu.matmul %add3A_17, %get3A_43, %dot_general3A_44 {dimension_numbers = #tpu.dot_dimension_numbers<[1], [0], [0], [1], [0, 0, 1, 1], [], []>, transpose_lhs_hint = false} : vector<256x128xf32>, vector<128x64xf32>, vector<256x64xf32> -> vector<256x64xf32>
    %swap3A_46 = arith.constant 0 : index
    %swap3A_47 = arith.constant 192 : index
    %swap3A_48 = vector.load %arg5[%swap3A_46, %swap3A_47] : memref<256x256xf32, #tpu.memory_space<vmem>>, vector<256x64xf32>
    tpu.vector_store %arg5[%swap3A_46, %swap3A_47], %dot_general3A_45 {strides = array<i32>} : memref<256x256xf32, #tpu.memory_space<vmem>>, vector<256x64xf32>,
    %mul3A = arith.mulf %max3A_8, %max3A_8 : vector<256x128xf32>
    %reduce_sum3A = vector.shape_cast %mul3A : vector<256x128xf32> to vector<1x256x128xf32>
    %reduce_sum3A_49 = arith.constant dense<0.000000e+00> : vector<1xf32>
    %reduce_sum3A_50 = vector.multi_reduction <add>, %reduce_sum3A, %reduce_sum3A_49 [1, 2] : vector<1x256x128xf32> to vector<1xf32>
    %reduce_sum3A_51 = vector.shape_cast %reduce_sum3A_50 : vector<1xf32> to vector<1x1x1xf32>
    %reduce_sum3A_52 = vector.extract %reduce_sum3A_51[0, 0, 0] : f32 from vector<1x1x1xf32>
    %mul3A_53 = arith.mulf %max3A_12, %max3A_12 : vector<256x128xf32>
    %reduce_sum3A_54 = vector.shape_cast %mul3A_53 : vector<256x128xf32> to vector<1x256x128xf32>
    %reduce_sum3A_55 = arith.constant dense<0.000000e+00> : vector<1xf32>
    %reduce_sum3A_56 = vector.multi_reduction <add>, %reduce_sum3A_54, %reduce_sum3A_55 [1, 2] : vector<1x256x128xf32> to vector<1xf32>
    %reduce_sum3A_57 = vector.shape_cast %reduce_sum3A_56 : vector<1xf32> to vector<1x1x1xf32>
    %reduce_sum3A_58 = vector.extract %reduce_sum3A_57[0, 0, 0] : f32 from vector<1x1x1xf32>
    %mul3A_59 = arith.mulf %max3A_16, %max3A_16 : vector<256x128xf32>
    %reduce_sum3A_60 = vector.shape_cast %mul3A_59 : vector<256x128xf32> to vector<1x256x128xf32>
    %reduce_sum3A_61 = arith.constant dense<0.000000e+00> : vector<1xf32>
    %reduce_sum3A_62 = vector.multi_reduction <add>, %reduce_sum3A_60, %reduce_sum3A_61 [1, 2] : vector<1x256x128xf32> to vector<1xf32>
    %reduce_sum3A_63 = vector.shape_cast %reduce_sum3A_62 : vector<1xf32> to vector<1x1x1xf32>
    %reduce_sum3A_64 = vector.extract %reduce_sum3A_63[0, 0, 0] : f32 from vector<1x1x1xf32>
    %iota3A = tpu.iota {dimensions = array<i32: 2>} : vector<1x1x128xi32>
    %eq3A = arith.constant 0 : i32
    %eq3A_65 = vector.broadcast %eq3A : i32 to vector<1x1x128xi32>
    %eq3A_66 = arith.cmpi eq, %iota3A, %eq3A_65 : vector<1x1x128xi32>
    %jit3A = arith.constant 0.000000e+00 : f32
    %broadcast_in_dim3A = vector.broadcast %reduce_sum3A_52 : f32 to vector<1x1x128xf32>
    %broadcast_in_dim3A_67 = vector.broadcast %jit3A : f32 to vector<1x1x128xf32>
    %select_n3A = arith.select %eq3A_66, %broadcast_in_dim3A, %broadcast_in_dim3A_67 : vector<1x1x128xi1>, vector<1x1x128xf32>
    %eq3A_68 = arith.constant 1 : i32
    %eq3A_69 = vector.broadcast %eq3A_68 : i32 to vector<1x1x128xi32>
    %eq3A_70 = arith.cmpi eq, %iota3A, %eq3A_69 : vector<1x1x128xi32>
    %jit3A_71 = arith.constant 0.000000e+00 : f32
    %broadcast_in_dim3A_72 = vector.broadcast %reduce_sum3A_58 : f32 to vector<1x1x128xf32>
    %broadcast_in_dim3A_73 = vector.broadcast %jit3A_71 : f32 to vector<1x1x128xf32>
    %select_n3A_74 = arith.select %eq3A_70, %broadcast_in_dim3A_72, %broadcast_in_dim3A_73 : vector<1x1x128xi1>, vector<1x1x128xf32>
    %add3A_75 = arith.addf %select_n3A, %select_n3A_74 : vector<1x1x128xf32>
    %eq3A_76 = arith.constant 2 : i32
    %eq3A_77 = vector.broadcast %eq3A_76 : i32 to vector<1x1x128xi32>
    %eq3A_78 = arith.cmpi eq, %iota3A, %eq3A_77 : vector<1x1x128xi32>
    %jit3A_79 = arith.constant 0.000000e+00 : f32
    %broadcast_in_dim3A_80 = vector.broadcast %reduce_sum3A_64 : f32 to vector<1x1x128xf32>
    %broadcast_in_dim3A_81 = vector.broadcast %jit3A_79 : f32 to vector<1x1x128xf32>
    %select_n3A_82 = arith.select %eq3A_78, %broadcast_in_dim3A_80, %broadcast_in_dim3A_81 : vector<1x1x128xi1>, vector<1x1x128xf32>
    %add3A_83 = arith.addf %add3A_75, %select_n3A_82 : vector<1x1x128xf32>
    %swap3A_84 = arith.constant 0 : index
    %swap3A_85 = arith.constant 0 : index
    %swap3A_86 = arith.constant 0 : index
    %swap3A_87 = vector.load %arg6[%swap3A_84, %swap3A_85, %swap3A_86] : memref<1x1x128xf32, #tpu.memory_space<vmem>>, vector<1x1x128xf32>
    tpu.vector_store %arg6[%swap3A_84, %swap3A_85, %swap3A_86], %add3A_83 {strides = array<i32>} : memref<1x1x128xf32, #tpu.memory_space<vmem>>, vector<1x1x128xf32>,
    return
  }
  func.func @transform_0(%arg0: i32) -> (i32, i32) {
    %c0_i32 = arith.constant 0 : i32
    %c0_i32_0 = arith.constant 0 : i32
    return %arg0, %c0_i32 : i32, i32
  }
  func.func @transform_1(%arg0: i32) -> (i32, i32) {
    %c0_i32 = arith.constant 0 : i32
    %c0_i32_0 = arith.constant 0 : i32
    %c0_i32_1 = arith.constant 0 : i32
    return %c0_i32, %c0_i32_0 : i32, i32
  }
  func.func @transform_2(%arg0: i32) -> (i32, i32) {
    %c0_i32 = arith.constant 0 : i32
    %c0_i32_0 = arith.constant 0 : i32
    %c0_i32_1 = arith.constant 0 : i32
    return %c0_i32, %c0_i32_0 : i32, i32
  }
  func.func @transform_3(%arg0: i32) -> (i32, i32) {
    %c0_i32 = arith.constant 0 : i32
    %c0_i32_0 = arith.constant 0 : i32
    %c0_i32_1 = arith.constant 0 : i32
    return %c0_i32, %c0_i32_0 : i32, i32
  }
  func.func @transform_4(%arg0: i32) -> (i32, i32) {
    %c0_i32 = arith.constant 0 : i32
    %c0_i32_0 = arith.constant 0 : i32
    return %arg0, %c0_i32 : i32, i32
  }
  func.func @transform_5(%arg0: i32) -> (i32, i32, i32) {
    %c0_i32 = arith.constant 0 : i32
    %c0_i32_0 = arith.constant 0 : i32
    %c0_i32_1 = arith.constant 0 : i32
    return %arg0, %c0_i32, %c0_i32_0 : i32, i32, i32
  }
}

module attributes {stable_mosaic.version = 14 : i64} {
  func.func @_p2_body(%arg0: i32, %arg1: memref<256x4096xf32, #tpu.memory_space<vmem>>, %arg2: memref<4096x256xf32, #tpu.memory_space<vmem>>, %arg3: memref<1x64xf32, #tpu.memory_space<vmem>>, %arg4: memref<2x256x64xf32, #tpu.memory_space<vmem>>, %arg5: memref<2x256x64xf32, #tpu.memory_space<vmem>>, %arg6: memref<256x64xf32, #tpu.memory_space<vmem>>) attributes {dimension_semantics = [#tpu.dimension_semantics<arbitrary>], iteration_bounds = array<i64: 16>, scalar_prefetch = 0 : i64, scratch_operands = 0 : i64, tpu.core_type = #tpu.core_type<tc>, window_params = [{transform_indices = @transform_0, window_bounds = array<i64: 256, 4096>}, {pipeline_mode = #tpu.pipeline_mode<synchronous>, transform_indices = @transform_1, window_bounds = array<i64: 4096, 256>}, {pipeline_mode = #tpu.pipeline_mode<synchronous>, transform_indices = @transform_2, window_bounds = array<i64: 1, 64>}, {transform_indices = @transform_3, window_bounds = array<i64: 2, 256, 64>}, {transform_indices = @transform_4, window_bounds = array<i64: 2, 256, 64>}, {transform_indices = @transform_5, window_bounds = array<i64: 256, 64>}]} {
    %get3A = arith.constant 0 : index
    %get3A_0 = arith.constant 0 : index
    %get3A_1 = vector.load %arg1[%get3A, %get3A_0] : memref<256x4096xf32, #tpu.memory_space<vmem>>, vector<256x4096xf32>
    %convert_element_type3A = arith.truncf %get3A_1 : vector<256x4096xf32> to vector<256x4096xbf16>
    %get3A_2 = arith.constant 0 : index
    %get3A_3 = arith.constant 0 : index
    %get3A_4 = vector.load %arg2[%get3A_2, %get3A_3] : memref<4096x256xf32, #tpu.memory_space<vmem>>, vector<4096x256xf32>
    %convert_element_type3A_5 = arith.truncf %get3A_4 : vector<4096x256xf32> to vector<4096x256xbf16>
    %dot_general3A = arith.constant dense<0.000000e+00> : vector<256x256xf32>
    %dot_general3A_6 = tpu.matmul %convert_element_type3A, %convert_element_type3A_5, %dot_general3A {dimension_numbers = #tpu.dot_dimension_numbers<[1], [0], [0], [1], [0, 0, 1, 1], [], []>, transpose_lhs_hint = false} : vector<256x4096xbf16>, vector<4096x256xbf16>, vector<256x256xf32> -> vector<256x256xf32>
    %slice3A = vector.extract_strided_slice %dot_general3A_6 {offsets = [0, 0], sizes = [256, 64], strides = [1, 1]} : vector<256x256xf32> to vector<256x64xf32>
    %swap3A = arith.constant 0 : index
    %swap3A_7 = arith.constant 0 : index
    %swap3A_8 = arith.constant 0 : index
    %swap3A_9 = vector.load %arg4[%swap3A, %swap3A_7, %swap3A_8] : memref<2x256x64xf32, #tpu.memory_space<vmem>>, vector<1x256x64xf32>
    %swap3A_10 = vector.shape_cast %swap3A_9 : vector<1x256x64xf32> to vector<256x64xf32>
    %swap3A_11 = vector.shape_cast %slice3A : vector<256x64xf32> to vector<1x256x64xf32>
    tpu.vector_store %arg4[%swap3A, %swap3A_7, %swap3A_8], %swap3A_11 {strides = array<i32>} : memref<2x256x64xf32, #tpu.memory_space<vmem>>, vector<1x256x64xf32>,
    %slice3A_12 = vector.extract_strided_slice %dot_general3A_6 {offsets = [0, 64], sizes = [256, 64], strides = [1, 1]} : vector<256x256xf32> to vector<256x64xf32>
    %swap3A_13 = arith.constant 1 : index
    %swap3A_14 = arith.constant 0 : index
    %swap3A_15 = arith.constant 0 : index
    %swap3A_16 = vector.load %arg4[%swap3A_13, %swap3A_14, %swap3A_15] : memref<2x256x64xf32, #tpu.memory_space<vmem>>, vector<1x256x64xf32>
    %swap3A_17 = vector.shape_cast %swap3A_16 : vector<1x256x64xf32> to vector<256x64xf32>
    %swap3A_18 = vector.shape_cast %slice3A_12 : vector<256x64xf32> to vector<1x256x64xf32>
    tpu.vector_store %arg4[%swap3A_13, %swap3A_14, %swap3A_15], %swap3A_18 {strides = array<i32>} : memref<2x256x64xf32, #tpu.memory_space<vmem>>, vector<1x256x64xf32>,
    %slice3A_19 = vector.extract_strided_slice %dot_general3A_6 {offsets = [0, 128], sizes = [256, 64], strides = [1, 1]} : vector<256x256xf32> to vector<256x64xf32>
    %swap3A_20 = arith.constant 0 : index
    %swap3A_21 = arith.constant 0 : index
    %swap3A_22 = arith.constant 0 : index
    %swap3A_23 = vector.load %arg5[%swap3A_20, %swap3A_21, %swap3A_22] : memref<2x256x64xf32, #tpu.memory_space<vmem>>, vector<1x256x64xf32>
    %swap3A_24 = vector.shape_cast %swap3A_23 : vector<1x256x64xf32> to vector<256x64xf32>
    %swap3A_25 = vector.shape_cast %slice3A_19 : vector<256x64xf32> to vector<1x256x64xf32>
    tpu.vector_store %arg5[%swap3A_20, %swap3A_21, %swap3A_22], %swap3A_25 {strides = array<i32>} : memref<2x256x64xf32, #tpu.memory_space<vmem>>, vector<1x256x64xf32>,
    %slice3A_26 = vector.extract_strided_slice %dot_general3A_6 {offsets = [0, 192], sizes = [256, 64], strides = [1, 1]} : vector<256x256xf32> to vector<256x64xf32>
    %swap3A_27 = arith.constant 1 : index
    %swap3A_28 = arith.constant 0 : index
    %swap3A_29 = arith.constant 0 : index
    %swap3A_30 = vector.load %arg5[%swap3A_27, %swap3A_28, %swap3A_29] : memref<2x256x64xf32, #tpu.memory_space<vmem>>, vector<1x256x64xf32>
    %swap3A_31 = vector.shape_cast %swap3A_30 : vector<1x256x64xf32> to vector<256x64xf32>
    %swap3A_32 = vector.shape_cast %slice3A_26 : vector<256x64xf32> to vector<1x256x64xf32>
    tpu.vector_store %arg5[%swap3A_27, %swap3A_28, %swap3A_29], %swap3A_32 {strides = array<i32>} : memref<2x256x64xf32, #tpu.memory_space<vmem>>, vector<1x256x64xf32>,
    %slice3A_33 = vector.extract_strided_slice %dot_general3A_6 {offsets = [0, 64], sizes = [256, 64], strides = [1, 1]} : vector<256x256xf32> to vector<256x64xf32>
    %get3A_34 = arith.constant 0 : index
    %get3A_35 = arith.constant 0 : index
    %get3A_36 = vector.load %arg3[%get3A_34, %get3A_35] : memref<1x64xf32, #tpu.memory_space<vmem>>, vector<1x64xf32>
    %mul3A = vector.broadcast %get3A_36 : vector<1x64xf32> to vector<256x64xf32>
    %mul3A_37 = arith.mulf %slice3A_33, %mul3A : vector<256x64xf32>
    %swap3A_38 = arith.constant 0 : index
    %swap3A_39 = arith.constant 0 : index
    %swap3A_40 = vector.load %arg6[%swap3A_38, %swap3A_39] : memref<256x64xf32, #tpu.memory_space<vmem>>, vector<256x64xf32>
    tpu.vector_store %arg6[%swap3A_38, %swap3A_39], %mul3A_37 {strides = array<i32>} : memref<256x64xf32, #tpu.memory_space<vmem>>, vector<256x64xf32>,
    return
  }
  func.func @transform_0(%arg0: i32) -> (i32, i32) {
    %c0_i32 = arith.constant 0 : i32
    %c0_i32_0 = arith.constant 0 : i32
    return %arg0, %c0_i32 : i32, i32
  }
  func.func @transform_1(%arg0: i32) -> (i32, i32) {
    %c0_i32 = arith.constant 0 : i32
    %c0_i32_0 = arith.constant 0 : i32
    %c0_i32_1 = arith.constant 0 : i32
    return %c0_i32, %c0_i32_0 : i32, i32
  }
  func.func @transform_2(%arg0: i32) -> (i32, i32) {
    %c0_i32 = arith.constant 0 : i32
    %c0_i32_0 = arith.constant 0 : i32
    %c0_i32_1 = arith.constant 0 : i32
    return %c0_i32, %c0_i32_0 : i32, i32
  }
  func.func @transform_3(%arg0: i32) -> (i32, i32, i32) {
    %c0_i32 = arith.constant 0 : i32
    %c0_i32_0 = arith.constant 0 : i32
    %c0_i32_1 = arith.constant 0 : i32
    return %c0_i32, %arg0, %c0_i32_0 : i32, i32, i32
  }
  func.func @transform_4(%arg0: i32) -> (i32, i32, i32) {
    %c0_i32 = arith.constant 0 : i32
    %c0_i32_0 = arith.constant 0 : i32
    %c0_i32_1 = arith.constant 0 : i32
    return %c0_i32, %arg0, %c0_i32_0 : i32, i32, i32
  }
  func.func @transform_5(%arg0: i32) -> (i32, i32) {
    %c0_i32 = arith.constant 0 : i32
    %c0_i32_0 = arith.constant 0 : i32
    return %arg0, %c0_i32 : i32, i32
  }
}

module attributes {stable_mosaic.version = 14 : i64} {
  func.func @_dec_body(%arg0: i32, %arg1: memref<512x64xf32, #tpu.memory_space<vmem>>, %arg2: memref<4096x64xf32, #tpu.memory_space<vmem>>, %arg3: memref<512x4096xf32, #tpu.memory_space<vmem>>) attributes {dimension_semantics = [#tpu.dimension_semantics<arbitrary>], iteration_bounds = array<i64: 8>, scalar_prefetch = 0 : i64, scratch_operands = 0 : i64, tpu.core_type = #tpu.core_type<tc>, window_params = [{transform_indices = @transform_0, window_bounds = array<i64: 512, 64>}, {pipeline_mode = #tpu.pipeline_mode<synchronous>, transform_indices = @transform_1, window_bounds = array<i64: 4096, 64>}, {transform_indices = @transform_2, window_bounds = array<i64: 512, 4096>}]} {
    %get3A = arith.constant 0 : index
    %get3A_0 = arith.constant 0 : index
    %get3A_1 = vector.load %arg1[%get3A, %get3A_0] : memref<512x64xf32, #tpu.memory_space<vmem>>, vector<512x64xf32>
    %get3A_2 = arith.constant 0 : index
    %get3A_3 = arith.constant 0 : index
    %get3A_4 = vector.load %arg2[%get3A_2, %get3A_3] : memref<4096x64xf32, #tpu.memory_space<vmem>>, vector<4096x64xf32>
    %dot_general3A = arith.constant dense<0.000000e+00> : vector<512x4096xf32>
    %dot_general3A_5 = tpu.matmul %get3A_1, %get3A_4, %dot_general3A {dimension_numbers = #tpu.dot_dimension_numbers<[1], [1], [0], [0], [0, 0, 1, 0], [], []>, transpose_lhs_hint = false} : vector<512x64xf32>, vector<4096x64xf32>, vector<512x4096xf32> -> vector<512x4096xf32>
    %min3A = arith.constant 2.500000e+01 : f32
    %min3A_6 = vector.broadcast %min3A : f32 to vector<512x4096xf32>
    %min3A_7 = arith.minimumf %dot_general3A_5, %min3A_6 : vector<512x4096xf32>
    %exp3A = math.exp %min3A_7 : vector<512x4096xf32>
    %neg3A = arith.constant 0.000000e+00 : f32
    %neg3A_8 = vector.broadcast %neg3A : f32 to vector<512x4096xf32>
    %neg3A_9 = arith.subf %neg3A_8, %exp3A : vector<512x4096xf32>
    %exp3A_10 = math.exp %neg3A_9 : vector<512x4096xf32>
    %sub3A = arith.constant 1.000000e+00 : f32
    %sub3A_11 = vector.broadcast %sub3A : f32 to vector<512x4096xf32>
    %sub3A_12 = arith.subf %sub3A_11, %exp3A_10 : vector<512x4096xf32>
    %swap3A = arith.constant 0 : index
    %swap3A_13 = arith.constant 0 : index
    %swap3A_14 = vector.load %arg3[%swap3A, %swap3A_13] : memref<512x4096xf32, #tpu.memory_space<vmem>>, vector<512x4096xf32>
    tpu.vector_store %arg3[%swap3A, %swap3A_13], %sub3A_12 {strides = array<i32>} : memref<512x4096xf32, #tpu.memory_space<vmem>>, vector<512x4096xf32>,
    return
  }
  func.func @transform_0(%arg0: i32) -> (i32, i32) {
    %c0_i32 = arith.constant 0 : i32
    %c0_i32_0 = arith.constant 0 : i32
    return %arg0, %c0_i32 : i32, i32
  }
  func.func @transform_1(%arg0: i32) -> (i32, i32) {
    %c0_i32 = arith.constant 0 : i32
    %c0_i32_0 = arith.constant 0 : i32
    %c0_i32_1 = arith.constant 0 : i32
    return %c0_i32, %c0_i32_0 : i32, i32
  }
  func.func @transform_2(%arg0: i32) -> (i32, i32) {
    %c0_i32 = arith.constant 0 : i32
    %c0_i32_0 = arith.constant 0 : i32
    return %arg0, %c0_i32 : i32, i32
  }
}

</mosaic_0001>

<sc_bundles>
// kernel: kernel.9.cloned.1.call-start
scs
__scs_entry_jumppad:
0x0: {  	(pc) =	sbr.rel $0x88, $3  }
0x1: {  	(tag) =	ssettag $0x0;
	lr =	simm.s32 $0x1  }
0x2: {  	[smem:$0x3F98] =	sst lr;
	_ =	strace $0xD0000000  }
0x3: {  	_ = 	snop  }
0x4: {  	_ = 	snop  }
0x5: {  	_ = 	snop  }
0x6: {  	_ = 	snop  }
0x7: {  	_ = 	snop  }
__scs_overlays_trampoline_lowered:
0x8: {  	[smem:$0x3FA7] =	sst s0  }
0x9: {  	[smem:$0x3FA8] =	sst s1  }
0xa: {  	[smem:$0x3FA9] =	sst s2  }
0xb: {  	[smem:$0x3FAA] =	sst s3  }
0xc: {  	[smem:$0x3FAB] =	sst s4  }
0xd: {  	[smem:$0x3FAC] =	sst s5  }
0xe: {  	[smem:$0x3FAD] =	sst s6  }
0xf: {  	[smem:$0x3FAE] =	sst s7  }
0x10: {  	[smem:$0x3FAF] =	sst s8  }
0x11: {  	[smem:$0x3FB0] =	sst s9;
	s0 =	simm.s32 @!p0 $0x0  }
0x12: {  	s1 =	sld [smem:$0x3F96];
	s0 =	simm.s32 @p0 $0x1  }
0x13: {  	[smem:$0x3FB1] =	sst s0;
	s0 =	simm.s32 @!p1 $0x0  }
0x14: {  	s2 =	sld [smem:$0x3F95];
	s0 =	simm.s32 @p1 $0x1  }
0x15: {  	[smem:$0x3FB2] =	sst s0;
	s0 =	simm.s32 @!p2 $0x0  }
0x16: {  	s3 =	sld [smem:$0x3FDB];
	s0 =	simm.s32 @p2 $0x1  }
0x17: {  	s4 =	simm.s32 $0x1BF5;
	[smem:$0x3FB4] =	sst s0  }
0x18: {  	s0 =	sld [smem:$0x3F97];
	_ =	swait.ge [sflag:s4], $0x0  }
0x19: {  	s7 =	sld [smem:$0x3F98]  }
0x1a: {  	s8 =	sadd.s32 $0xFFFFE003, lr  }
0x1b: {  	s9 =	sadd.s32 $0xFFFFFEF7, lr;
	s5 =	simm.s32 $0xFFFFFFFF;
	p2 =	slt.u32 s8, $0xFFFFF086  }
0x1c: {  	p1 =	slt.u32 s9, $0xF7A;
	s5 =	simm.s32 @!p2 $0x0  }
0x1d: {  	s5 =	simm.s32 @p1 $0x1;
	p0 =	seq.s32 s7, s2  }
0x1e: {  	s7 =	smul.u32 @!p0 $0xF7A, s2;
	p2 =	seq.s32 @!p0 s5, $0x0  }
0x1f: {  	s9 =	smul.u32 $0xF7A, s1;
	s8 =	simm.s32 @!p0 $0x1BF5;
	p2 =	por !p2, p0  }
0x20: {  	[sflag:s8] =	ssyncset.s32 @!p0 $0xFFFFF086;
	s6 =	sadd.s32 @!p0 s3, s7;
	s7 =	simm.s32 @!p0 $0x108  }
0x21: {  	s3 =	sadd.s32 s3, s9;
	s6 =	sadd.s32 @!p0 $0x88, s6;
	s7 =	simm.s32 @p2 $0x1082  }
0x22: {  	[simem:s7], [sflag:s8] =	dma.local @!p0 [hbm:s6], $0xF7A  }
0x23: {  	s9 =	sor.u32 $0xD0000000, s2;
	s6 =	simm.s32 $0x108;
	_ =	swait.ge @!p0 [sflag:s8], $0x0  }
0x24: {  	s3 =	sadd.s32 $0x88, s3;
	s6 =	simm.s32 @!p1 $0x1082;
	[sflag:s4] =	ssyncset.s32 $0xFFFFF086  }
0x25: {  	[simem:s6], [sflag:s4] =	dma.local [hbm:s3], $0xF7A  }
0x26: {  	[smem:$0x3F98] =	sst s1;
	(tag) =	ssettag s2;
	_ =	strace s9  }
0x27: {  	s1 =	sld [smem:$0x3FA8]  }
0x28: {  	s2 =	sld [smem:$0x3FA9]  }
0x29: {  	s4 =	sld [smem:$0x3FAB]  }
0x2a: {  	p0 =	seq.s32 s5, $0x0;
	s5 =	sld [smem:$0x3FAC]  }
0x2b: {  	s6 =	sld [smem:$0x3FAD]  }
0x2c: {  	s7 =	sld [smem:$0x3FAE]  }
0x2d: {  	s3 =	simm.s32 $0x108;
	s8 =	sld [smem:$0x3FAF]  }
0x2e: {  	s3 =	simm.s32 @!p0 $0x1082;
	s9 =	sld [smem:$0x3FB0]  }
0x2f: {  	lr =	sadd.s32 s0, s3;
	s0 =	sld [smem:$0x3FA7]  }
0x30: {  	s3 =	sld [smem:$0x3FAA]  }
0x31: {  	[smem:$0x3FB3] =	sst s10  }
0x32: {  	s10 =	sld [smem:$0x3FB1];
	_ =	sdelay $0x3  }
0x33: {  	p0 =	seq.s32 s10, $0x1;
	s10 =	sld [smem:$0x3FB3];
	_ =	sdelay $0x3  }
0x34: {  	[smem:$0x3FB3] =	sst s10  }
0x35: {  	s10 =	sld [smem:$0x3FB2];
	_ =	sdelay $0x3  }
0x36: {  	p1 =	seq.s32 s10, $0x1;
	s10 =	sld [smem:$0x3FB3];
	_ =	sdelay $0x3  }
0x37: {  	[smem:$0x3FB3] =	sst s10  }
0x38: {  	s10 =	sld [smem:$0x3FB4]  }
0x39: {  	_ = 	snop;
	(pc) =	sbr.ind lr, $3  }
0x3a: {  	_ = 	snop  }
0x3b: {  	_ = 	snop  }
0x3c: {  	p2 =	seq.s32 s10, $0x1;
	s10 =	sld [smem:$0x3FB3]  }
0x3d: {  	_ =	shalt  }
0x3e: {  	_ =	shalt  }
0x3f: {  	_ =	shalt  }
0x40: {  	_ =	shalt  }
0x41: {  	_ =	shalt  }
0x42: {  	_ =	shalt  }
0x43: {  	_ =	shalt  }
0x44: {  	_ =	shalt  }
0x45: {  	_ =	shalt  }
0x46: {  	_ =	shalt  }
0x47: {  	_ =	shalt  }
0x48: {  	_ =	shalt  }
0x49: {  	_ =	shalt  }
0x4a: {  	_ =	shalt  }
0x4b: {  	_ =	shalt  }
0x4c: {  	_ =	shalt  }
0x4d: {  	_ =	shalt  }
0x4e: {  	_ =	shalt  }
0x4f: {  	_ =	shalt  }
0x50: {  	_ =	shalt  }
0x51: {  	_ =	shalt  }
0x52: {  	_ =	shalt  }
0x53: {  	_ =	shalt  }
0x54: {  	_ =	shalt  }
0x55: {  	_ =	shalt  }
0x56: {  	_ =	shalt  }
0x57: {  	_ =	shalt  }
0x58: {  	_ =	shalt  }
0x59: {  	_ =	shalt  }
0x5a: {  	_ =	shalt  }
0x5b: {  	_ =	shalt  }
0x5c: {  	_ =	shalt  }
0x5d: {  	_ =	shalt  }
0x5e: {  	_ =	shalt  }
0x5f: {  	_ =	shalt  }
0x60: {  	_ =	shalt  }
0x61: {  	_ =	shalt  }
0x62: {  	_ =	shalt  }
0x63: {  	_ =	shalt  }
0x64: {  	_ =	shalt  }
0x65: {  	_ =	shalt  }
0x66: {  	_ =	shalt  }
0x67: {  	_ =	shalt  }
0x68: {  	_ =	shalt  }
0x69: {  	_ =	shalt  }
0x6a: {  	_ =	shalt  }
0x6b: {  	_ =	shalt  }
0x6c: {  	_ =	shalt  }
0x6d: {  	_ =	shalt  }
0x6e: {  	_ =	shalt  }
0x6f: {  	_ =	shalt  }
0x70: {  	_ =	shalt  }
0x71: {  	_ =	shalt  }
0x72: {  	_ =	shalt  }
0x73: {  	_ =	shalt  }
0x74: {  	_ =	shalt  }
0x75: {  	_ =	shalt  }
0x76: {  	_ =	shalt  }
0x77: {  	_ =	shalt  }
0x78: {  	_ =	shalt  }
0x79: {  	_ =	shalt  }
0x7a: {  	_ =	shalt  }
0x7b: {  	_ =	shalt  }
0x7c: {  	_ =	shalt  }
0x7d: {  	_ =	shalt  }
0x7e: {  	_ =	shalt  }
0x7f: {  	_ =	shalt  }
0x80: {  	_ =	shalt  }
0x81: {  	_ =	shalt  }
0x82: {  	_ =	shalt  }
0x83: {  	_ =	shalt  }
0x84: {  	_ =	shalt  }
0x85: {  	_ =	shalt  }
0x86: {  	_ =	shalt  }
0x87: {  	_ =	shalt  }
.Lfunc_end0:
.L_simem_size_0:
called_computation_lowered:
.L_overlay_start_0:
0x88: {  	s2 =	sld [smem:$0x3FD9]  }
0x89: {  	s3 =	sld [smem:$0x3FFE];
	_ =	sdelay $0x1  }
0x8a: {  	s1 =	srdreg.scid  }
0x8b: {  	s0 =	sand.u32 $0x1, s1  }
0x8c: {  	s15 =	sshll.u32 s0, $0xA;
	s2 =	sadd.s32 s3, s2  }
0x8d: {  	s2 =	sadd.s32 s2, s15  }
0x8e: {  	[smem:$0x3FBF] =	sst s2  }
0x8f: {  	_ = 	snop  }
0x90: {  	s2 =	sld [smem:$0x3FD0];
	_ =	sdelay $0x1  }
0x91: {  	s16 =	sld [smem:$0x3FC7]  }
0x92: {  	s5 =	simm.s32 $0xA;
	s6 =	simm.s32 $0x10;
	s4 =	sld [smem:$0x3FC6]  }
0x93: {  	[smem:s6], [sflag:s5] =	dma.local [hbm:s2], $0x1  }
0x94: {  	_ =	swait.eq [sflag:s5], $0x1  }
0x95: {  	[sflag:s5] =	ssyncset.done $0x0  }
0x96: {  	[sflag:s5] =	ssyncadd.s32 $0xFFFFFFFF  }
0x97: {  	s17 =	sld [smem:$0x12];
	(tm) =	ssettm $0x1  }
0x98: {  	s18 =	sld [smem:$0x3FFB];
	_ =	sdelay $0x3  }
0x99: {  	_ =	strace s18  }
0x9a: {  	s5 =	sld [smem:$0x3FFC];
	_ =	sdelay $0x3  }
0x9b: {  	_ =	strace s5  }
0x9c: {  	s5 =	sld [smem:$0x3FFD];
	_ =	sdelay $0x3  }
0x9d: {  	_ =	strace s5  }
0x9e: {  	_ =	strace $0x8FFFFFFF  }
0x9f: {  	s19 =	sld [smem:$0x3FDB];
	_ =	sdelay $0x1  }
0xa0: {  	s20 =	simm.s32 $_scs_section_size  }
0xa1: {  	s7 =	simm.s32 $_size__tile_overlayer_lowered;
	s8 =	simm.s32 $_tile_overlayer_lowered  }
0xa2: {  	s23 =	simm.s32 $0x1BFF;
	s22 =	sshll.u32 s8, $0x1;
	s5 =	sadd.s32 s20, s19  }
0xa3: {  	s9 =	simm.s32 $0x0;
	s21 =	sshll.u32 s7, $0x1;
	s7 =	sadd.s32 s22, s5  }
0xa4: {  	[timem:s9], [sflag:s23] =	dma.local [hbm:s7], s21  }
0xa5: {  	_ =	swait.ge [sflag:s23], s21  }
0xa6: {  	s6 =	ssub.s32 $0x0, s21;
	[sflag:s23] =	ssyncset.done $0x0  }
0xa7: {  	[sflag:s23] =	ssyncadd.s32 s6;
	_ =	sdelay $0x1  }
0xa8: {  	s24 =	simm.s32 $0x1B8B  }
0xa9: {  	_ =	swait.ge [sflag:s24], $0x1  }
0xaa: {  	[sflag:s24] =	ssyncset.done $0x0  }
0xab: {  	s25 =	simm.s32 $0x1B8E;
	[sflag:s24] =	ssyncadd.s32 $0xFFFFFFFF  }
0xac: {  	s26 =	simm.s32 $execute0_lowered;
	[smem:$0x3FD2] =	sst s25  }
0xad: {  	s6 =	sshll.u32 s26, $0x1;
	_ =	strace $0x80000046;
	[dreg:$0x1] =	wrdreg $0xFFFFFFFF  }
0xae: {  	s28 =	simm.s32 $_size_execute0_lowered;
	s5 =	sadd.s32 s5, s6;
	[dreg:$0x0] =	wrdreg $0x0  }
0xaf: {  	s6 =	sshll.u32 s28, $0x1;
	[dreg:$0x2] =	wrdreg s5  }
0xb0: {  	[dreg:$0x3] =	wrdreg s6  }
0xb1: {  	[dreg:$0x4] =	wrdreg $0xC0  }
0xb2: {  	_ =	task [dreg:s9], $0x5FFFF  }
0xb3: {  	[dreg:$0x1] =	wrdreg $0xFFFFFFFF  }
0xb4: {  	[dreg:$0x0] =	wrdreg $0x60  }
0xb5: {  	[dreg:$0x2] =	wrdreg s4  }
0xb6: {  	[dreg:$0x3] =	wrdreg s16  }
0xb7: {  	[dreg:$0x4] =	wrdreg s17  }
0xb8: {  	[dreg:$0x5] =	wrdreg $0x9  }
0xb9: {  	_ =	task.clear_ibuf [dreg:s9], $0x6FFFF;
	_ =	strace $0x90000046  }
0xba: {  	s29 =	simm.s32 $0x9;
	_ =	strace $0x80000048  }
0xbb: {  	_ =	swait.ge [sflag:s29], $0x1  }
0xbc: {  	[sflag:s29] =	ssyncadd.s32 $0xFFFFFFFF  }
0xbd: {  	_ =	strace $0x90000048  }
0xbe: {  	_ =	sfence  }
0xbf: {  	s30 =	sld [smem:$0x0];
	_ =	sdelay $0x2  }
0xc0: {  	s31 =	sshll.u32 s1, $0xD;
	s1 =	sshrl.u32 s1, $0x2  }
0xc1: {  	s3 =	sand.u32 $0x4000, s31;
	s1 =	sadd.s32 s1, s30  }
0xc2: {  	s0 =	sor.u32 s3, s0;
	s1 =	sshll.u32 s1, $0x11  }
0xc3: {  	s0 =	sor.u32 s1, s0  }
0xc4: {  	s0 =	sadd.s32 $0x8F2B, s0  }
0xc5: {  	[sflag:s0] =	ssyncadd.remote.s32 $0x1  }
0xc6: {  	_ =	sfence.sel $0xFFFF  }
0xc7: {  	[dreg:$0x0] =	wrdreg $0xFFFFFFFF;
	(pc) =	sbr.abs _section_cstart, $3  }
0xc8: {  	[dreg:$0x1] =	wrdreg $0xFFFFFFFF  }
0xc9: {  	_ =	task.clear_ibuf [dreg:s9], $0x2FFFF;
	_ =	strace $0x9FFFFFFF  }
0xca: {  	(tm) =	ssettm $0x7FFFFFFF  }
0xcb: {  	_ =	shalt  }
tec
execute0_lowered:
.L_overlay_start_1:
0x0: {  	(tag) =	ssettag $0x1  }
0x1: {  	s1 =	rddreg [dreg:$0x0]  }
0x2: {  	s2 =	srdreg.scid;
	s4 =	rddreg [dreg:$0x1]  }
0x3: {  	s0 =	stileid.u32;
	s8 =	rddreg [dreg:$0x2];
	s6 =	sand.u32 $0x1, s2  }
0x4: {  	s3 =	simm.s32 $0x0;
	s5 =	sshll.u32 s0, $0x8;
	s7 =	sshll.u32 s6, $0x7  }
0x5: {  	[smem:$0x7FF] =	sst s3;
	s9 =	sor.u32 s7, s5  }
0x6: {  	s2 =	rddreg [dreg:$0x3];
	_ =	strace $0x80000047;
	s5 =	sshrl.u32 s9, $0x3  }
0x7: {  	s10 =	ssub.s32 $0x2, s6;
	s5 =	sadd.s32 s4, s5;
	s4 =	simm.s32 $0x2  }
0x8: {  	[tilespmem:s3], [sflag:$0x2] =	stream.linear.gather [hbm4b:s5+s3], $0x80, $0x38;
	[tilespmem:$0x4080] =	vst v63  }
0x9: {  	s11 =	sshrl.u32 s10, $0x1;
	_ =	swait.ge [sflag:s4], $0x80  }
0xa: {  	s6 =	simm.s32 $0x80;
	s10 =	ssub.s32 s10, s11;
	[sflag:s4] =	ssyncset.done $0x0  }
0xb: {  	s7 =	simm.s32 $0x1;
	s31 =	smax.u32 s10, $0x1;
	[sflag:s4] =	ssyncadd.s32 $0xFFFFFF80  }
0xc: {  	[tilespmem:s6], [sflag:$0x1] =	stream.indirect.gather [hbm4b:s1+s6], $0x80, s3, s6, $0xb8;
	[tilespmem:$0x4080] =	vst v63  }
0xd: {  	p0 =	sne.s32 s31, $0x1;
	_ =	swait.ge [sflag:s7], $0x4000  }
.Ltmp0:
0xe: {  	s9 =	sshll.u32 s9, $0x4;
	[sflag:s7] =	ssyncset.done $0x0;
	(pc) =	sbr.rel @!p0 .LBB2_2-.Ltmp0, $4  }
0xf: {  	s8 =	sadd.s32 s8, s9;
	[sflag:s7] =	ssyncadd.s32 $0xFFFFC000  }
0x10: {  	[hbm4b:s8+s3] =	stream.linear.scatter [tilespmem:s6], [sflag:$0x2], $0x4000, $0x38;
	[tilespmem:$0x4080] =	vst v63  }
0x11: {  	_ =	swait.ge [sflag:s4], $0x4000  }
0x12: {  	s9 =	sadd.s32 $0xFFFFFFFF, s31;
	[sflag:s4] =	ssyncset.done $0x0  }
.LBB2_1:
0x13: {  	p0 =	sne.s32 s9, $0x1;
	s9 =	sadd.s32 $0xFFFFFFFF, s9;
	[sflag:s4] =	ssyncadd.s32 $0xFFFFC000  }
0x14: {  	[tilespmem:s3], [sflag:$0x2] =	stream.linear.gather [hbm4b:s5+s3], $0x80, $0x38;
	[tilespmem:$0x4080] =	vst v63  }
0x15: {  	_ =	swait.ge [sflag:s4], $0x80  }
0x16: {  	[sflag:s4] =	ssyncset.done $0x0  }
0x17: {  	[sflag:s4] =	ssyncadd.s32 $0xFFFFFF80  }
0x18: {  	[tilespmem:s6], [sflag:$0x1] =	stream.indirect.gather [hbm4b:s1+s6], $0x80, s3, s6, $0xb8;
	[tilespmem:$0x4080] =	vst v63  }
0x19: {  	_ =	swait.ge [sflag:s7], $0x4000  }
.Ltmp1:
0x1a: {  	[sflag:s7] =	ssyncset.done $0x0;
	(pc) =	sbr.rel @p0 .LBB2_1-.Ltmp1, $4  }
0x1b: {  	[sflag:s7] =	ssyncadd.s32 $0xFFFFC000  }
0x1c: {  	[hbm4b:s8+s3] =	stream.linear.scatter [tilespmem:s6], [sflag:$0x2], $0x4000, $0x38;
	[tilespmem:$0x4080] =	vst v63  }
0x1d: {  	_ =	swait.ge [sflag:s4], $0x4000  }
0x1e: {  	[sflag:s4] =	ssyncset.done $0x0  }
.LBB2_2:
0x1f: {  	[sflag:s4] =	ssyncadd.s32 $0xFFFFC000  }
0x20: {  	_ =	sfence.sel $0x180000  }
0x21: {  	[bflag:$0x0] =	sbarrier.arrive $0xFFFF  }
0x22: {  	p0 =	sne.s32 s0, $0x0;
	_ =	strace $0x90000047  }
0x23: {  	s0 =	sadd.s32 @!p0 $0x100000, s2;
	[bflag:$0x2] =	sbarrier.arrive $0xFFFF  }
0x24: {  	[sflag:s0] =	ssyncadd.tile.s32 @!p0 $0x1;
	_ =	shalt  }
.Lfunc_end2:
_tile_overlayer_lowered:
.L_overlay_start_2:
0x25: {  	(tag) =	ssettag $0x2  }
0x26: {  	s0 =	rddreg [dreg:$0x0];
	s2 =	stileid.u32  }
0x27: {  	s1 =	rddreg [dreg:$0x1];
	p0 =	sne.s32 s2, $0x0  }
0x28: {  	s3 =	rddreg [dreg:$0x2];
	[bflag:$0x3] =	sbarrier.arrive $0xFFFF;
	s2 =	simm.s32 @!p0 $0x1C02  }
0x29: {  	[timem:s3], [sflag:s2] =	dma.local @!p0 [hbm:s0], s1  }
0x2a: {  	s0 =	simm.s32 @!p0 $0x2  }
0x2b: {  	_ =	swait.ge @!p0 [sflag:s0], s1  }
0x2c: {  	s1 =	ssub.s32 @!p0 $0x0, s1;
	[sflag:s0] =	ssyncset.done @!p0 $0x0  }
0x2d: {  	[sflag:s0] =	ssyncadd.s32 @!p0 s1  }
0x2e: {  	[bflag:$0x3] =	sbarrier.arrive $0xFFFF  }
0x2f: {  	_ =	shalt  }

</sc_bundles>
